<compile_context>
chip_gen: v7x
topology: tpu7x:2x2x1
jax: 0.10.2.dev20260603
libtpu: 0.0.44.dev20260713+nightly
codegen_flags: <defaults>
</compile_context>

<pallas_src>
import jax
import jax.numpy as jnp
from jax import lax
from jax.experimental import pallas as pl
from jax.experimental.pallas import tpu as pltpu, tpu_sc as plsc

_T = 1000
_B = 16384
_NC = 2
_NS = 16
_NW = _NC * _NS
_BPW = _B // _NW
_CHUNKS = _BPW // 16


def _sqrt16(x):
    i = plsc.bitcast(x, jnp.int32)
    i = jnp.int32(0x5F3759DF) - (i >> 1)
    y = plsc.bitcast(i, jnp.float32)
    for _ in range(2):
        y = y * (1.5 - 0.5 * x * y * y)
    return x * y


_HBPW = _BPW // 2


def _body(alphas_hbm, t_hbm, out_hbm, tab, idx_v, out_v, sem_a, sem_t, sem_o):
    wid = lax.axis_index("s") * _NC + lax.axis_index("c")
    cp_a = pltpu.async_copy(alphas_hbm, tab, sem_a)
    cp_t = pltpu.async_copy(t_hbm.at[pl.ds(wid * _BPW, _BPW)], idx_v, sem_t)
    cp_a.wait()
    cp_t.wait()
    lanes = lax.iota(jnp.int32, 16)
    zeros = lanes * 0
    ones = zeros + 1

    def _half(h):
        @pl.loop(h * (_CHUNKS // 2), (h + 1) * (_CHUNKS // 2), unroll=2)
        def _chunk(i):
            iv = idx_v[pl.ds(i * 16, 16)]
            a = plsc.load_gather(tab, [iv])
            sa = _sqrt16(a)
            sb = _sqrt16(1.0 - a)
            pos = lanes + (i * 16)
            plsc.store_scatter(out_v, [pos, zeros], sa)
            plsc.store_scatter(out_v, [pos, ones], sb)

    _half(0)
    cp_o0 = pltpu.async_copy(
        out_v.at[pl.ds(0, _HBPW)],
        out_hbm.at[pl.ds(wid * _BPW, _HBPW)], sem_o)
    _half(1)
    cp_o1 = pltpu.async_copy(
        out_v.at[pl.ds(_HBPW, _HBPW)],
        out_hbm.at[pl.ds(wid * _BPW + _HBPW, _HBPW)], sem_o)
    cp_o0.wait()
    cp_o1.wait()


@jax.jit
def _run(alphas, t32):
    k = pl.kernel(
        _body,
        mesh=plsc.VectorSubcoreMesh(core_axis_name="c", subcore_axis_name="s"),
        out_type=jax.ShapeDtypeStruct((_B, 2), jnp.float32),
        compiler_params=pltpu.CompilerParams(needs_layout_passes=False),
        scratch_types=[
            pltpu.VMEM((_T,), jnp.float32),
            pltpu.VMEM((_BPW,), jnp.int32),
            pltpu.VMEM((_BPW, 2), jnp.float32),
            pltpu.SemaphoreType.DMA,
            pltpu.SemaphoreType.DMA,
            pltpu.SemaphoreType.DMA,
        ],
    )
    return k(alphas, t32)


def kernel(t, alphas_cumprod):
    return _run(alphas_cumprod, t.astype(jnp.int32))

# --- scband reference (transcript-rebuilt; emitter-appended) ---
"""Pipeline reference for scband-fixed-timestep-encoding-31439160607122 (READ-ONLY COPY).

The authoritative reference and input builder live on the scoring server;
editing this copy changes nothing except your own understanding.
"""

import jax, jax.numpy as jnp
import numpy as np

T = 1000
B = 16384

def _make_alphas_cumprod():
    betas = jnp.linspace(1e-4, 0.02, T, dtype=jnp.float32)
    alphas = 1.0 - betas
    return jnp.cumprod(alphas)

def setup_inputs(seed: int = 0) -> dict:
    key = jax.random.key(seed)
    t = jax.random.randint(key, (B,), 0, T, dtype=jnp.int64 if jax.config.jax_enable_x64 else jnp.int32)
    alphas_cumprod = _make_alphas_cumprod()
    return {"t": t, "alphas_cumprod": alphas_cumprod}

def reference(t, alphas_cumprod):
    # alpha_bar = self.alphas_cumprod[t]  (gather)
    alpha_bar = jnp.take(alphas_cumprod, t, axis=0)
    # torch.stack([alpha_bar.sqrt(), (1 - alpha_bar).sqrt()], dim=-1)
    out = jnp.stack([jnp.sqrt(alpha_bar), jnp.sqrt(1.0 - alpha_bar)], axis=-1)
    return out

if __name__ == "__main__":
    import jax
    _d = setup_inputs()
    print(jax.jit(kernel)(*tuple(_d.values())))

</pallas_src>

<mosaic_0001>
#map = affine_map<(d0, d1) -> (0)>
#map1 = affine_map<(d0, d1) -> (0, 0)>
module attributes {stable_mosaic.version = 14 : i64} {
  func.func @_body(%arg0: i32, %arg1: i32, %arg2: memref<1000xf32, #tpu.memory_space<hbm>>, %arg3: memref<16384xi32, #tpu.memory_space<hbm>>, %arg4: memref<16384x2xf32, #tpu.memory_space<hbm>>, %arg5: memref<1000xf32, #tpu.memory_space<vmem>>, %arg6: memref<512xi32, #tpu.memory_space<vmem>>, %arg7: memref<512x2xf32, #tpu.memory_space<vmem>>, %arg8: memref<!tpu.dma_semaphore, #tpu.memory_space<semaphore_mem>>, %arg9: memref<!tpu.dma_semaphore, #tpu.memory_space<semaphore_mem>>, %arg10: memref<!tpu.dma_semaphore, #tpu.memory_space<semaphore_mem>>) attributes {dimension_semantics = [#tpu.dimension_semantics<core_parallel>, #tpu.dimension_semantics<subcore_parallel>], iteration_bounds = array<i64: 2, 16>, scalar_prefetch = 0 : i64, scratch_operands = 6 : i64, tpu.core_type = #tpu.core_type<sc_vector_subcore>, window_params = [{transform_indices = #map}, {transform_indices = #map}, {transform_indices = #map1}]} {
    %mul3A = arith.constant 2 : i32
    %mul3A_0 = arith.muli %arg1, %mul3A : i32
    %add3A = arith.addi %mul3A_0, %arg0 : i32
    tpu.enqueue_dma source(%arg2 : memref<1000xf32, #tpu.memory_space<hbm>>) target(%arg5 : memref<1000xf32, #tpu.memory_space<vmem>>) target_semaphore(%arg8 : memref<!tpu.dma_semaphore, #tpu.memory_space<semaphore_mem>>)
    %mul3A_1 = arith.constant 512 : i32
    %mul3A_2 = arith.muli %add3A, %mul3A_1 : i32
    %dma_start3A = tpu.memref_slice %arg3[%mul3A_2] : memref<16384xi32, #tpu.memory_space<hbm>> -> memref<512xi32, #tpu.memory_space<hbm>>
    %dma_start3A_3 = tpu.memref_slice %arg3[%mul3A_2] : memref<16384xi32, #tpu.memory_space<hbm>> -> memref<512xi32, #tpu.memory_space<hbm>>
    tpu.enqueue_dma source(%dma_start3A_3 : memref<512xi32, #tpu.memory_space<hbm>>) target(%arg6 : memref<512xi32, #tpu.memory_space<vmem>>) target_semaphore(%arg9 : memref<!tpu.dma_semaphore, #tpu.memory_space<semaphore_mem>>)
    tpu.wait_dma2 semaphore(%arg8 : memref<!tpu.dma_semaphore, #tpu.memory_space<semaphore_mem>>) src(%arg2 : memref<1000xf32, #tpu.memory_space<hbm>>) dst(%arg5 : memref<1000xf32, #tpu.memory_space<vmem>>)
    %dma_wait3A = tpu.memref_slice %arg3[%mul3A_2] : memref<16384xi32, #tpu.memory_space<hbm>> -> memref<512xi32, #tpu.memory_space<hbm>>
    %dma_wait3A_4 = tpu.memref_slice %arg3[%mul3A_2] : memref<16384xi32, #tpu.memory_space<hbm>> -> memref<512xi32, #tpu.memory_space<hbm>>
    tpu.wait_dma2 semaphore(%arg9 : memref<!tpu.dma_semaphore, #tpu.memory_space<semaphore_mem>>) src(%dma_wait3A_4 : memref<512xi32, #tpu.memory_space<hbm>>) dst(%arg6 : memref<512xi32, #tpu.memory_space<vmem>>)
    %iota3A = tpu.iota {dimensions = array<i32: 0>} : vector<16xi32>
    %mul3A_5 = arith.constant 0 : i32
    %mul3A_6 = vector.broadcast %mul3A_5 : i32 to vector<16xi32>
    %mul3A_7 = arith.muli %iota3A, %mul3A_6 : vector<16xi32>
    %add3A_8 = arith.constant 1 : i32
    %add3A_9 = vector.broadcast %add3A_8 : i32 to vector<16xi32>
    %add3A_10 = arith.addi %mul3A_7, %add3A_9 : vector<16xi32>
    %scan3A = arith.constant 0 : i32
    %scan3A_11 = arith.constant 16 : i32
    %scan3A_12 = arith.addi %scan3A, %scan3A_11 : i32
    %scan3A_13 = arith.constant 2 : i32
    scf.for %scan3A_66 = %scan3A to %scan3A_12 step %scan3A_13  : i32 {
      %mul3A_67 = arith.constant 1 : i32
      %mul3A_68 = arith.muli %scan3A_66, %mul3A_67 : i32
      %add3A_69 = arith.constant 0 : i32
      %add3A_70 = arith.addi %add3A_69, %mul3A_68 : i32
      %mul3A_71 = arith.constant 16 : i32
      %mul3A_72 = arith.muli %add3A_70, %mul3A_71 : i32
      %get3A = arith.index_cast %mul3A_72 : i32 to index
      %get3A_73 = tpu.vector_load %arg6[%get3A] {strides = array<i32>} : memref<512xi32, #tpu.memory_space<vmem>>, vector<16xi32>,
      %gather3A = tpu.vector_load_idx %arg5[%get3A_73] : memref<1000xf32, #tpu.memory_space<vmem>>[vector<16xi32>], vector<16xf32>,
      %bitcast3A = vector.bitcast %gather3A : vector<16xf32> to vector<16xi32>
      %shift_right_arithmetic3A = arith.constant 1 : i32
      %shift_right_arithmetic3A_74 = vector.broadcast %shift_right_arithmetic3A : i32 to vector<16xi32>
      %shift_right_arithmetic3A_75 = arith.shrsi %bitcast3A, %shift_right_arithmetic3A_74 : vector<16xi32>
      %sub3A = arith.constant 1597463007 : i32
      %sub3A_76 = vector.broadcast %sub3A : i32 to vector<16xi32>
      %sub3A_77 = arith.subi %sub3A_76, %shift_right_arithmetic3A_75 : vector<16xi32>
      %bitcast3A_78 = vector.bitcast %sub3A_77 : vector<16xi32> to vector<16xf32>
      %mul3A_79 = arith.constant 5.000000e-01 : f32
      %mul3A_80 = vector.broadcast %mul3A_79 : f32 to vector<16xf32>
      %mul3A_81 = arith.mulf %mul3A_80, %gather3A : vector<16xf32>
      %mul3A_82 = arith.mulf %mul3A_81, %bitcast3A_78 : vector<16xf32>
      %mul3A_83 = arith.mulf %mul3A_82, %bitcast3A_78 : vector<16xf32>
      %sub3A_84 = arith.constant 1.500000e+00 : f32
      %sub3A_85 = vector.broadcast %sub3A_84 : f32 to vector<16xf32>
      %sub3A_86 = arith.subf %sub3A_85, %mul3A_83 : vector<16xf32>
      %mul3A_87 = arith.mulf %bitcast3A_78, %sub3A_86 : vector<16xf32>
      %mul3A_88 = arith.constant 5.000000e-01 : f32
      %mul3A_89 = vector.broadcast %mul3A_88 : f32 to vector<16xf32>
      %mul3A_90 = arith.mulf %mul3A_89, %gather3A : vector<16xf32>
      %mul3A_91 = arith.mulf %mul3A_90, %mul3A_87 : vector<16xf32>
      %mul3A_92 = arith.mulf %mul3A_91, %mul3A_87 : vector<16xf32>
      %sub3A_93 = arith.constant 1.500000e+00 : f32
      %sub3A_94 = vector.broadcast %sub3A_93 : f32 to vector<16xf32>
      %sub3A_95 = arith.subf %sub3A_94, %mul3A_92 : vector<16xf32>
      %mul3A_96 = arith.mulf %mul3A_87, %sub3A_95 : vector<16xf32>
      %mul3A_97 = arith.mulf %gather3A, %mul3A_96 : vector<16xf32>
      %sub3A_98 = arith.constant 1.000000e+00 : f32
      %sub3A_99 = vector.broadcast %sub3A_98 : f32 to vector<16xf32>
      %sub3A_100 = arith.subf %sub3A_99, %gather3A : vector<16xf32>
      %bitcast3A_101 = vector.bitcast %sub3A_100 : vector<16xf32> to vector<16xi32>
      %shift_right_arithmetic3A_102 = arith.constant 1 : i32
      %shift_right_arithmetic3A_103 = vector.broadcast %shift_right_arithmetic3A_102 : i32 to vector<16xi32>
      %shift_right_arithmetic3A_104 = arith.shrsi %bitcast3A_101, %shift_right_arithmetic3A_103 : vector<16xi32>
      %sub3A_105 = arith.constant 1597463007 : i32
      %sub3A_106 = vector.broadcast %sub3A_105 : i32 to vector<16xi32>
      %sub3A_107 = arith.subi %sub3A_106, %shift_right_arithmetic3A_104 : vector<16xi32>
      %bitcast3A_108 = vector.bitcast %sub3A_107 : vector<16xi32> to vector<16xf32>
      %mul3A_109 = arith.constant 5.000000e-01 : f32
      %mul3A_110 = vector.broadcast %mul3A_109 : f32 to vector<16xf32>
      %mul3A_111 = arith.mulf %mul3A_110, %sub3A_100 : vector<16xf32>
      %mul3A_112 = arith.mulf %mul3A_111, %bitcast3A_108 : vector<16xf32>
      %mul3A_113 = arith.mulf %mul3A_112, %bitcast3A_108 : vector<16xf32>
      %sub3A_114 = arith.constant 1.500000e+00 : f32
      %sub3A_115 = vector.broadcast %sub3A_114 : f32 to vector<16xf32>
      %sub3A_116 = arith.subf %sub3A_115, %mul3A_113 : vector<16xf32>
      %mul3A_117 = arith.mulf %bitcast3A_108, %sub3A_116 : vector<16xf32>
      %mul3A_118 = arith.constant 5.000000e-01 : f32
      %mul3A_119 = vector.broadcast %mul3A_118 : f32 to vector<16xf32>
      %mul3A_120 = arith.mulf %mul3A_119, %sub3A_100 : vector<16xf32>
      %mul3A_121 = arith.mulf %mul3A_120, %mul3A_117 : vector<16xf32>
      %mul3A_122 = arith.mulf %mul3A_121, %mul3A_117 : vector<16xf32>
      %sub3A_123 = arith.constant 1.500000e+00 : f32
      %sub3A_124 = vector.broadcast %sub3A_123 : f32 to vector<16xf32>
      %sub3A_125 = arith.subf %sub3A_124, %mul3A_122 : vector<16xf32>
      %mul3A_126 = arith.mulf %mul3A_117, %sub3A_125 : vector<16xf32>
      %mul3A_127 = arith.mulf %sub3A_100, %mul3A_126 : vector<16xf32>
      %mul3A_128 = arith.constant 16 : i32
      %mul3A_129 = arith.muli %add3A_70, %mul3A_128 : i32
      %add3A_130 = vector.broadcast %mul3A_129 : i32 to vector<16xi32>
      %add3A_131 = arith.addi %iota3A, %add3A_130 : vector<16xi32>
      tpu.vector_store_idx %arg7[%add3A_131, %mul3A_7], %mul3A_97 : memref<512x2xf32, #tpu.memory_space<vmem>>[vector<16xi32>, vector<16xi32>], vector<16xf32>,
      tpu.vector_store_idx %arg7[%add3A_131, %add3A_10], %mul3A_127 : memref<512x2xf32, #tpu.memory_space<vmem>>[vector<16xi32>, vector<16xi32>], vector<16xf32>,
      %scan3A_132 = arith.constant 1 : i32
      %scan3A_133 = arith.addi %scan3A_66, %scan3A_132 : i32
      %mul3A_134 = arith.constant 1 : i32
      %mul3A_135 = arith.muli %scan3A_133, %mul3A_134 : i32
      %add3A_136 = arith.constant 0 : i32
      %add3A_137 = arith.addi %add3A_136, %mul3A_135 : i32
      %mul3A_138 = arith.constant 16 : i32
      %mul3A_139 = arith.muli %add3A_137, %mul3A_138 : i32
      %get3A_140 = arith.index_cast %mul3A_139 : i32 to index
      %get3A_141 = tpu.vector_load %arg6[%get3A_140] {strides = array<i32>} : memref<512xi32, #tpu.memory_space<vmem>>, vector<16xi32>,
      %gather3A_142 = tpu.vector_load_idx %arg5[%get3A_141] : memref<1000xf32, #tpu.memory_space<vmem>>[vector<16xi32>], vector<16xf32>,
      %bitcast3A_143 = vector.bitcast %gather3A_142 : vector<16xf32> to vector<16xi32>
      %shift_right_arithmetic3A_144 = arith.constant 1 : i32
      %shift_right_arithmetic3A_145 = vector.broadcast %shift_right_arithmetic3A_144 : i32 to vector<16xi32>
      %shift_right_arithmetic3A_146 = arith.shrsi %bitcast3A_143, %shift_right_arithmetic3A_145 : vector<16xi32>
      %sub3A_147 = arith.constant 1597463007 : i32
      %sub3A_148 = vector.broadcast %sub3A_147 : i32 to vector<16xi32>
      %sub3A_149 = arith.subi %sub3A_148, %shift_right_arithmetic3A_146 : vector<16xi32>
      %bitcast3A_150 = vector.bitcast %sub3A_149 : vector<16xi32> to vector<16xf32>
      %mul3A_151 = arith.constant 5.000000e-01 : f32
      %mul3A_152 = vector.broadcast %mul3A_151 : f32 to vector<16xf32>
      %mul3A_153 = arith.mulf %mul3A_152, %gather3A_142 : vector<16xf32>
      %mul3A_154 = arith.mulf %mul3A_153, %bitcast3A_150 : vector<16xf32>
      %mul3A_155 = arith.mulf %mul3A_154, %bitcast3A_150 : vector<16xf32>
      %sub3A_156 = arith.constant 1.500000e+00 : f32
      %sub3A_157 = vector.broadcast %sub3A_156 : f32 to vector<16xf32>
      %sub3A_158 = arith.subf %sub3A_157, %mul3A_155 : vector<16xf32>
      %mul3A_159 = arith.mulf %bitcast3A_150, %sub3A_158 : vector<16xf32>
      %mul3A_160 = arith.constant 5.000000e-01 : f32
      %mul3A_161 = vector.broadcast %mul3A_160 : f32 to vector<16xf32>
      %mul3A_162 = arith.mulf %mul3A_161, %gather3A_142 : vector<16xf32>
      %mul3A_163 = arith.mulf %mul3A_162, %mul3A_159 : vector<16xf32>
      %mul3A_164 = arith.mulf %mul3A_163, %mul3A_159 : vector<16xf32>
      %sub3A_165 = arith.constant 1.500000e+00 : f32
      %sub3A_166 = vector.broadcast %sub3A_165 : f32 to vector<16xf32>
      %sub3A_167 = arith.subf %sub3A_166, %mul3A_164 : vector<16xf32>
      %mul3A_168 = arith.mulf %mul3A_159, %sub3A_167 : vector<16xf32>
      %mul3A_169 = arith.mulf %gather3A_142, %mul3A_168 : vector<16xf32>
      %sub3A_170 = arith.constant 1.000000e+00 : f32
      %sub3A_171 = vector.broadcast %sub3A_170 : f32 to vector<16xf32>
      %sub3A_172 = arith.subf %sub3A_171, %gather3A_142 : vector<16xf32>
      %bitcast3A_173 = vector.bitcast %sub3A_172 : vector<16xf32> to vector<16xi32>
      %shift_right_arithmetic3A_174 = arith.constant 1 : i32
      %shift_right_arithmetic3A_175 = vector.broadcast %shift_right_arithmetic3A_174 : i32 to vector<16xi32>
      %shift_right_arithmetic3A_176 = arith.shrsi %bitcast3A_173, %shift_right_arithmetic3A_175 : vector<16xi32>
      %sub3A_177 = arith.constant 1597463007 : i32
      %sub3A_178 = vector.broadcast %sub3A_177 : i32 to vector<16xi32>
      %sub3A_179 = arith.subi %sub3A_178, %shift_right_arithmetic3A_176 : vector<16xi32>
      %bitcast3A_180 = vector.bitcast %sub3A_179 : vector<16xi32> to vector<16xf32>
      %mul3A_181 = arith.constant 5.000000e-01 : f32
      %mul3A_182 = vector.broadcast %mul3A_181 : f32 to vector<16xf32>
      %mul3A_183 = arith.mulf %mul3A_182, %sub3A_172 : vector<16xf32>
      %mul3A_184 = arith.mulf %mul3A_183, %bitcast3A_180 : vector<16xf32>
      %mul3A_185 = arith.mulf %mul3A_184, %bitcast3A_180 : vector<16xf32>
      %sub3A_186 = arith.constant 1.500000e+00 : f32
      %sub3A_187 = vector.broadcast %sub3A_186 : f32 to vector<16xf32>
      %sub3A_188 = arith.subf %sub3A_187, %mul3A_185 : vector<16xf32>
      %mul3A_189 = arith.mulf %bitcast3A_180, %sub3A_188 : vector<16xf32>
      %mul3A_190 = arith.constant 5.000000e-01 : f32
      %mul3A_191 = vector.broadcast %mul3A_190 : f32 to vector<16xf32>
      %mul3A_192 = arith.mulf %mul3A_191, %sub3A_172 : vector<16xf32>
      %mul3A_193 = arith.mulf %mul3A_192, %mul3A_189 : vector<16xf32>
      %mul3A_194 = arith.mulf %mul3A_193, %mul3A_189 : vector<16xf32>
      %sub3A_195 = arith.constant 1.500000e+00 : f32
      %sub3A_196 = vector.broadcast %sub3A_195 : f32 to vector<16xf32>
      %sub3A_197 = arith.subf %sub3A_196, %mul3A_194 : vector<16xf32>
      %mul3A_198 = arith.mulf %mul3A_189, %sub3A_197 : vector<16xf32>
      %mul3A_199 = arith.mulf %sub3A_172, %mul3A_198 : vector<16xf32>
      %mul3A_200 = arith.constant 16 : i32
      %mul3A_201 = arith.muli %add3A_137, %mul3A_200 : i32
      %add3A_202 = vector.broadcast %mul3A_201 : i32 to vector<16xi32>
      %add3A_203 = arith.addi %iota3A, %add3A_202 : vector<16xi32>
      tpu.vector_store_idx %arg7[%add3A_203, %mul3A_7], %mul3A_169 : memref<512x2xf32, #tpu.memory_space<vmem>>[vector<16xi32>, vector<16xi32>], vector<16xf32>,
      tpu.vector_store_idx %arg7[%add3A_203, %add3A_10], %mul3A_199 : memref<512x2xf32, #tpu.memory_space<vmem>>[vector<16xi32>, vector<16xi32>], vector<16xf32>,
    }
    %scan3A_14 = arith.constant 16 : i32
    %mul3A_15 = arith.constant 512 : i32
    %mul3A_16 = arith.muli %add3A, %mul3A_15 : i32
    %dma_start3A_17 = arith.constant 0 : i32
    %dma_start3A_18 = arith.constant 0 : i32
    %dma_start3A_19 = tpu.memref_slice %arg7[%dma_start3A_17, %dma_start3A_18] : memref<512x2xf32, #tpu.memory_space<vmem>> -> memref<256x2xf32, #tpu.memory_space<vmem>>
    %dma_start3A_20 = arith.constant 0 : i32
    %dma_start3A_21 = tpu.memref_slice %arg4[%mul3A_16, %dma_start3A_20] : memref<16384x2xf32, #tpu.memory_space<hbm>> -> memref<256x2xf32, #tpu.memory_space<hbm>>
    %dma_start3A_22 = arith.constant 0 : i32
    %dma_start3A_23 = tpu.memref_slice %arg4[%mul3A_16, %dma_start3A_22] : memref<16384x2xf32, #tpu.memory_space<hbm>> -> memref<256x2xf32, #tpu.memory_space<hbm>>
    %dma_start3A_24 = arith.constant 0 : i32
    %dma_start3A_25 = arith.constant 0 : i32
    %dma_start3A_26 = tpu.memref_slice %arg7[%dma_start3A_24, %dma_start3A_25] : memref<512x2xf32, #tpu.memory_space<vmem>> -> memref<256x2xf32, #tpu.memory_space<vmem>>
    tpu.enqueue_dma source(%dma_start3A_26 : memref<256x2xf32, #tpu.memory_space<vmem>>) target(%dma_start3A_23 : memref<256x2xf32, #tpu.memory_space<hbm>>) target_semaphore(%arg10 : memref<!tpu.dma_semaphore, #tpu.memory_space<semaphore_mem>>)
    %scan3A_27 = arith.constant 0 : i32
    %scan3A_28 = arith.constant 16 : i32
    %scan3A_29 = arith.addi %scan3A_27, %scan3A_28 : i32
    %scan3A_30 = arith.constant 2 : i32
    scf.for %scan3A_66 = %scan3A_27 to %scan3A_29 step %scan3A_30  : i32 {
      %mul3A_67 = arith.constant 1 : i32
      %mul3A_68 = arith.muli %scan3A_66, %mul3A_67 : i32
      %add3A_69 = arith.constant 16 : i32
      %add3A_70 = arith.addi %add3A_69, %mul3A_68 : i32
      %mul3A_71 = arith.constant 16 : i32
      %mul3A_72 = arith.muli %add3A_70, %mul3A_71 : i32
      %get3A = arith.index_cast %mul3A_72 : i32 to index
      %get3A_73 = tpu.vector_load %arg6[%get3A] {strides = array<i32>} : memref<512xi32, #tpu.memory_space<vmem>>, vector<16xi32>,
      %gather3A = tpu.vector_load_idx %arg5[%get3A_73] : memref<1000xf32, #tpu.memory_space<vmem>>[vector<16xi32>], vector<16xf32>,
      %bitcast3A = vector.bitcast %gather3A : vector<16xf32> to vector<16xi32>
      %shift_right_arithmetic3A = arith.constant 1 : i32
      %shift_right_arithmetic3A_74 = vector.broadcast %shift_right_arithmetic3A : i32 to vector<16xi32>
      %shift_right_arithmetic3A_75 = arith.shrsi %bitcast3A, %shift_right_arithmetic3A_74 : vector<16xi32>
      %sub3A = arith.constant 1597463007 : i32
      %sub3A_76 = vector.broadcast %sub3A : i32 to vector<16xi32>
      %sub3A_77 = arith.subi %sub3A_76, %shift_right_arithmetic3A_75 : vector<16xi32>
      %bitcast3A_78 = vector.bitcast %sub3A_77 : vector<16xi32> to vector<16xf32>
      %mul3A_79 = arith.constant 5.000000e-01 : f32
      %mul3A_80 = vector.broadcast %mul3A_79 : f32 to vector<16xf32>
      %mul3A_81 = arith.mulf %mul3A_80, %gather3A : vector<16xf32>
      %mul3A_82 = arith.mulf %mul3A_81, %bitcast3A_78 : vector<16xf32>
      %mul3A_83 = arith.mulf %mul3A_82, %bitcast3A_78 : vector<16xf32>
      %sub3A_84 = arith.constant 1.500000e+00 : f32
      %sub3A_85 = vector.broadcast %sub3A_84 : f32 to vector<16xf32>
      %sub3A_86 = arith.subf %sub3A_85, %mul3A_83 : vector<16xf32>
      %mul3A_87 = arith.mulf %bitcast3A_78, %sub3A_86 : vector<16xf32>
      %mul3A_88 = arith.constant 5.000000e-01 : f32
      %mul3A_89 = vector.broadcast %mul3A_88 : f32 to vector<16xf32>
      %mul3A_90 = arith.mulf %mul3A_89, %gather3A : vector<16xf32>
      %mul3A_91 = arith.mulf %mul3A_90, %mul3A_87 : vector<16xf32>
      %mul3A_92 = arith.mulf %mul3A_91, %mul3A_87 : vector<16xf32>
      %sub3A_93 = arith.constant 1.500000e+00 : f32
      %sub3A_94 = vector.broadcast %sub3A_93 : f32 to vector<16xf32>
      %sub3A_95 = arith.subf %sub3A_94, %mul3A_92 : vector<16xf32>
      %mul3A_96 = arith.mulf %mul3A_87, %sub3A_95 : vector<16xf32>
      %mul3A_97 = arith.mulf %gather3A, %mul3A_96 : vector<16xf32>
      %sub3A_98 = arith.constant 1.000000e+00 : f32
      %sub3A_99 = vector.broadcast %sub3A_98 : f32 to vector<16xf32>
      %sub3A_100 = arith.subf %sub3A_99, %gather3A : vector<16xf32>
      %bitcast3A_101 = vector.bitcast %sub3A_100 : vector<16xf32> to vector<16xi32>
      %shift_right_arithmetic3A_102 = arith.constant 1 : i32
      %shift_right_arithmetic3A_103 = vector.broadcast %shift_right_arithmetic3A_102 : i32 to vector<16xi32>
      %shift_right_arithmetic3A_104 = arith.shrsi %bitcast3A_101, %shift_right_arithmetic3A_103 : vector<16xi32>
      %sub3A_105 = arith.constant 1597463007 : i32
      %sub3A_106 = vector.broadcast %sub3A_105 : i32 to vector<16xi32>
      %sub3A_107 = arith.subi %sub3A_106, %shift_right_arithmetic3A_104 : vector<16xi32>
      %bitcast3A_108 = vector.bitcast %sub3A_107 : vector<16xi32> to vector<16xf32>
      %mul3A_109 = arith.constant 5.000000e-01 : f32
      %mul3A_110 = vector.broadcast %mul3A_109 : f32 to vector<16xf32>
      %mul3A_111 = arith.mulf %mul3A_110, %sub3A_100 : vector<16xf32>
      %mul3A_112 = arith.mulf %mul3A_111, %bitcast3A_108 : vector<16xf32>
      %mul3A_113 = arith.mulf %mul3A_112, %bitcast3A_108 : vector<16xf32>
      %sub3A_114 = arith.constant 1.500000e+00 : f32
      %sub3A_115 = vector.broadcast %sub3A_114 : f32 to vector<16xf32>
      %sub3A_116 = arith.subf %sub3A_115, %mul3A_113 : vector<16xf32>
      %mul3A_117 = arith.mulf %bitcast3A_108, %sub3A_116 : vector<16xf32>
      %mul3A_118 = arith.constant 5.000000e-01 : f32
      %mul3A_119 = vector.broadcast %mul3A_118 : f32 to vector<16xf32>
      %mul3A_120 = arith.mulf %mul3A_119, %sub3A_100 : vector<16xf32>
      %mul3A_121 = arith.mulf %mul3A_120, %mul3A_117 : vector<16xf32>
      %mul3A_122 = arith.mulf %mul3A_121, %mul3A_117 : vector<16xf32>
      %sub3A_123 = arith.constant 1.500000e+00 : f32
      %sub3A_124 = vector.broadcast %sub3A_123 : f32 to vector<16xf32>
      %sub3A_125 = arith.subf %sub3A_124, %mul3A_122 : vector<16xf32>
      %mul3A_126 = arith.mulf %mul3A_117, %sub3A_125 : vector<16xf32>
      %mul3A_127 = arith.mulf %sub3A_100, %mul3A_126 : vector<16xf32>
      %mul3A_128 = arith.constant 16 : i32
      %mul3A_129 = arith.muli %add3A_70, %mul3A_128 : i32
      %add3A_130 = vector.broadcast %mul3A_129 : i32 to vector<16xi32>
      %add3A_131 = arith.addi %iota3A, %add3A_130 : vector<16xi32>
      tpu.vector_store_idx %arg7[%add3A_131, %mul3A_7], %mul3A_97 : memref<512x2xf32, #tpu.memory_space<vmem>>[vector<16xi32>, vector<16xi32>], vector<16xf32>,
      tpu.vector_store_idx %arg7[%add3A_131, %add3A_10], %mul3A_127 : memref<512x2xf32, #tpu.memory_space<vmem>>[vector<16xi32>, vector<16xi32>], vector<16xf32>,
      %scan3A_132 = arith.constant 1 : i32
      %scan3A_133 = arith.addi %scan3A_66, %scan3A_132 : i32
      %mul3A_134 = arith.constant 1 : i32
      %mul3A_135 = arith.muli %scan3A_133, %mul3A_134 : i32
      %add3A_136 = arith.constant 16 : i32
      %add3A_137 = arith.addi %add3A_136, %mul3A_135 : i32
      %mul3A_138 = arith.constant 16 : i32
      %mul3A_139 = arith.muli %add3A_137, %mul3A_138 : i32
      %get3A_140 = arith.index_cast %mul3A_139 : i32 to index
      %get3A_141 = tpu.vector_load %arg6[%get3A_140] {strides = array<i32>} : memref<512xi32, #tpu.memory_space<vmem>>, vector<16xi32>,
      %gather3A_142 = tpu.vector_load_idx %arg5[%get3A_141] : memref<1000xf32, #tpu.memory_space<vmem>>[vector<16xi32>], vector<16xf32>,
      %bitcast3A_143 = vector.bitcast %gather3A_142 : vector<16xf32> to vector<16xi32>
      %shift_right_arithmetic3A_144 = arith.constant 1 : i32
      %shift_right_arithmetic3A_145 = vector.broadcast %shift_right_arithmetic3A_144 : i32 to vector<16xi32>
      %shift_right_arithmetic3A_146 = arith.shrsi %bitcast3A_143, %shift_right_arithmetic3A_145 : vector<16xi32>
      %sub3A_147 = arith.constant 1597463007 : i32
      %sub3A_148 = vector.broadcast %sub3A_147 : i32 to vector<16xi32>
      %sub3A_149 = arith.subi %sub3A_148, %shift_right_arithmetic3A_146 : vector<16xi32>
      %bitcast3A_150 = vector.bitcast %sub3A_149 : vector<16xi32> to vector<16xf32>
      %mul3A_151 = arith.constant 5.000000e-01 : f32
      %mul3A_152 = vector.broadcast %mul3A_151 : f32 to vector<16xf32>
      %mul3A_153 = arith.mulf %mul3A_152, %gather3A_142 : vector<16xf32>
      %mul3A_154 = arith.mulf %mul3A_153, %bitcast3A_150 : vector<16xf32>
      %mul3A_155 = arith.mulf %mul3A_154, %bitcast3A_150 : vector<16xf32>
      %sub3A_156 = arith.constant 1.500000e+00 : f32
      %sub3A_157 = vector.broadcast %sub3A_156 : f32 to vector<16xf32>
      %sub3A_158 = arith.subf %sub3A_157, %mul3A_155 : vector<16xf32>
      %mul3A_159 = arith.mulf %bitcast3A_150, %sub3A_158 : vector<16xf32>
      %mul3A_160 = arith.constant 5.000000e-01 : f32
      %mul3A_161 = vector.broadcast %mul3A_160 : f32 to vector<16xf32>
      %mul3A_162 = arith.mulf %mul3A_161, %gather3A_142 : vector<16xf32>
      %mul3A_163 = arith.mulf %mul3A_162, %mul3A_159 : vector<16xf32>
      %mul3A_164 = arith.mulf %mul3A_163, %mul3A_159 : vector<16xf32>
      %sub3A_165 = arith.constant 1.500000e+00 : f32
      %sub3A_166 = vector.broadcast %sub3A_165 : f32 to vector<16xf32>
      %sub3A_167 = arith.subf %sub3A_166, %mul3A_164 : vector<16xf32>
      %mul3A_168 = arith.mulf %mul3A_159, %sub3A_167 : vector<16xf32>
      %mul3A_169 = arith.mulf %gather3A_142, %mul3A_168 : vector<16xf32>
      %sub3A_170 = arith.constant 1.000000e+00 : f32
      %sub3A_171 = vector.broadcast %sub3A_170 : f32 to vector<16xf32>
      %sub3A_172 = arith.subf %sub3A_171, %gather3A_142 : vector<16xf32>
      %bitcast3A_173 = vector.bitcast %sub3A_172 : vector<16xf32> to vector<16xi32>
      %shift_right_arithmetic3A_174 = arith.constant 1 : i32
      %shift_right_arithmetic3A_175 = vector.broadcast %shift_right_arithmetic3A_174 : i32 to vector<16xi32>
      %shift_right_arithmetic3A_176 = arith.shrsi %bitcast3A_173, %shift_right_arithmetic3A_175 : vector<16xi32>
      %sub3A_177 = arith.constant 1597463007 : i32
      %sub3A_178 = vector.broadcast %sub3A_177 : i32 to vector<16xi32>
      %sub3A_179 = arith.subi %sub3A_178, %shift_right_arithmetic3A_176 : vector<16xi32>
      %bitcast3A_180 = vector.bitcast %sub3A_179 : vector<16xi32> to vector<16xf32>
      %mul3A_181 = arith.constant 5.000000e-01 : f32
      %mul3A_182 = vector.broadcast %mul3A_181 : f32 to vector<16xf32>
      %mul3A_183 = arith.mulf %mul3A_182, %sub3A_172 : vector<16xf32>
      %mul3A_184 = arith.mulf %mul3A_183, %bitcast3A_180 : vector<16xf32>
      %mul3A_185 = arith.mulf %mul3A_184, %bitcast3A_180 : vector<16xf32>
      %sub3A_186 = arith.constant 1.500000e+00 : f32
      %sub3A_187 = vector.broadcast %sub3A_186 : f32 to vector<16xf32>
      %sub3A_188 = arith.subf %sub3A_187, %mul3A_185 : vector<16xf32>
      %mul3A_189 = arith.mulf %bitcast3A_180, %sub3A_188 : vector<16xf32>
      %mul3A_190 = arith.constant 5.000000e-01 : f32
      %mul3A_191 = vector.broadcast %mul3A_190 : f32 to vector<16xf32>
      %mul3A_192 = arith.mulf %mul3A_191, %sub3A_172 : vector<16xf32>
      %mul3A_193 = arith.mulf %mul3A_192, %mul3A_189 : vector<16xf32>
      %mul3A_194 = arith.mulf %mul3A_193, %mul3A_189 : vector<16xf32>
      %sub3A_195 = arith.constant 1.500000e+00 : f32
      %sub3A_196 = vector.broadcast %sub3A_195 : f32 to vector<16xf32>
      %sub3A_197 = arith.subf %sub3A_196, %mul3A_194 : vector<16xf32>
      %mul3A_198 = arith.mulf %mul3A_189, %sub3A_197 : vector<16xf32>
      %mul3A_199 = arith.mulf %sub3A_172, %mul3A_198 : vector<16xf32>
      %mul3A_200 = arith.constant 16 : i32
      %mul3A_201 = arith.muli %add3A_137, %mul3A_200 : i32
      %add3A_202 = vector.broadcast %mul3A_201 : i32 to vector<16xi32>
      %add3A_203 = arith.addi %iota3A, %add3A_202 : vector<16xi32>
      tpu.vector_store_idx %arg7[%add3A_203, %mul3A_7], %mul3A_169 : memref<512x2xf32, #tpu.memory_space<vmem>>[vector<16xi32>, vector<16xi32>], vector<16xf32>,
      tpu.vector_store_idx %arg7[%add3A_203, %add3A_10], %mul3A_199 : memref<512x2xf32, #tpu.memory_space<vmem>>[vector<16xi32>, vector<16xi32>], vector<16xf32>,
    }
    %scan3A_31 = arith.constant 16 : i32
    %mul3A_32 = arith.constant 512 : i32
    %mul3A_33 = arith.muli %add3A, %mul3A_32 : i32
    %add3A_34 = arith.constant 256 : i32
    %add3A_35 = arith.addi %mul3A_33, %add3A_34 : i32
    %dma_start3A_36 = arith.constant 256 : i32
    %dma_start3A_37 = arith.constant 0 : i32
    %dma_start3A_38 = tpu.memref_slice %arg7[%dma_start3A_36, %dma_start3A_37] : memref<512x2xf32, #tpu.memory_space<vmem>> -> memref<256x2xf32, #tpu.memory_space<vmem>>
    %dma_start3A_39 = arith.constant 0 : i32
    %dma_start3A_40 = tpu.memref_slice %arg4[%add3A_35, %dma_start3A_39] : memref<16384x2xf32, #tpu.memory_space<hbm>> -> memref<256x2xf32, #tpu.memory_space<hbm>>
    %dma_start3A_41 = arith.constant 0 : i32
    %dma_start3A_42 = tpu.memref_slice %arg4[%add3A_35, %dma_start3A_41] : memref<16384x2xf32, #tpu.memory_space<hbm>> -> memref<256x2xf32, #tpu.memory_space<hbm>>
    %dma_start3A_43 = arith.constant 256 : i32
    %dma_start3A_44 = arith.constant 0 : i32
    %dma_start3A_45 = tpu.memref_slice %arg7[%dma_start3A_43, %dma_start3A_44] : memref<512x2xf32, #tpu.memory_space<vmem>> -> memref<256x2xf32, #tpu.memory_space<vmem>>
    tpu.enqueue_dma source(%dma_start3A_45 : memref<256x2xf32, #tpu.memory_space<vmem>>) target(%dma_start3A_42 : memref<256x2xf32, #tpu.memory_space<hbm>>) target_semaphore(%arg10 : memref<!tpu.dma_semaphore, #tpu.memory_space<semaphore_mem>>)
    %dma_wait3A_46 = arith.constant 0 : i32
    %dma_wait3A_47 = arith.constant 0 : i32
    %dma_wait3A_48 = tpu.memref_slice %arg7[%dma_wait3A_46, %dma_wait3A_47] : memref<512x2xf32, #tpu.memory_space<vmem>> -> memref<256x2xf32, #tpu.memory_space<vmem>>
    %dma_wait3A_49 = arith.constant 0 : i32
    %dma_wait3A_50 = tpu.memref_slice %arg4[%mul3A_16, %dma_wait3A_49] : memref<16384x2xf32, #tpu.memory_space<hbm>> -> memref<256x2xf32, #tpu.memory_space<hbm>>
    %dma_wait3A_51 = arith.constant 0 : i32
    %dma_wait3A_52 = tpu.memref_slice %arg4[%mul3A_16, %dma_wait3A_51] : memref<16384x2xf32, #tpu.memory_space<hbm>> -> memref<256x2xf32, #tpu.memory_space<hbm>>
    %dma_wait3A_53 = arith.constant 0 : i32
    %dma_wait3A_54 = arith.constant 0 : i32
    %dma_wait3A_55 = tpu.memref_slice %arg7[%dma_wait3A_53, %dma_wait3A_54] : memref<512x2xf32, #tpu.memory_space<vmem>> -> memref<256x2xf32, #tpu.memory_space<vmem>>
    tpu.wait_dma2 semaphore(%arg10 : memref<!tpu.dma_semaphore, #tpu.memory_space<semaphore_mem>>) src(%dma_wait3A_55 : memref<256x2xf32, #tpu.memory_space<vmem>>) dst(%dma_wait3A_52 : memref<256x2xf32, #tpu.memory_space<hbm>>)
    %dma_wait3A_56 = arith.constant 256 : i32
    %dma_wait3A_57 = arith.constant 0 : i32
    %dma_wait3A_58 = tpu.memref_slice %arg7[%dma_wait3A_56, %dma_wait3A_57] : memref<512x2xf32, #tpu.memory_space<vmem>> -> memref<256x2xf32, #tpu.memory_space<vmem>>
    %dma_wait3A_59 = arith.constant 0 : i32
    %dma_wait3A_60 = tpu.memref_slice %arg4[%add3A_35, %dma_wait3A_59] : memref<16384x2xf32, #tpu.memory_space<hbm>> -> memref<256x2xf32, #tpu.memory_space<hbm>>
    %dma_wait3A_61 = arith.constant 0 : i32
    %dma_wait3A_62 = tpu.memref_slice %arg4[%add3A_35, %dma_wait3A_61] : memref<16384x2xf32, #tpu.memory_space<hbm>> -> memref<256x2xf32, #tpu.memory_space<hbm>>
    %dma_wait3A_63 = arith.constant 256 : i32
    %dma_wait3A_64 = arith.constant 0 : i32
    %dma_wait3A_65 = tpu.memref_slice %arg7[%dma_wait3A_63, %dma_wait3A_64] : memref<512x2xf32, #tpu.memory_space<vmem>> -> memref<256x2xf32, #tpu.memory_space<vmem>>
    tpu.wait_dma2 semaphore(%arg10 : memref<!tpu.dma_semaphore, #tpu.memory_space<semaphore_mem>>) src(%dma_wait3A_65 : memref<256x2xf32, #tpu.memory_space<vmem>>) dst(%dma_wait3A_62 : memref<256x2xf32, #tpu.memory_space<hbm>>)
    return
  }
}

</mosaic_0001>

<sc_bundles>
// kernel: _run.3.cloned.1.call-start
scs
__scs_entry_jumppad:
0x0: {  	(pc) =	sbr.rel $0x88, $3  }
0x1: {  	(tag) =	ssettag $0x0;
	lr =	simm.s32 $0x1  }
0x2: {  	[smem:$0x3F9F] =	sst lr;
	_ =	strace $0xD0000000  }
0x3: {  	_ = 	snop  }
0x4: {  	_ = 	snop  }
0x5: {  	_ = 	snop  }
0x6: {  	_ = 	snop  }
0x7: {  	_ = 	snop  }
__scs_overlays_trampoline_lowered:
0x8: {  	[smem:$0x3FAE] =	sst s0  }
0x9: {  	[smem:$0x3FAF] =	sst s1  }
0xa: {  	[smem:$0x3FB0] =	sst s2  }
0xb: {  	[smem:$0x3FB1] =	sst s3  }
0xc: {  	[smem:$0x3FB2] =	sst s4  }
0xd: {  	[smem:$0x3FB3] =	sst s5  }
0xe: {  	[smem:$0x3FB4] =	sst s6  }
0xf: {  	[smem:$0x3FB5] =	sst s7  }
0x10: {  	[smem:$0x3FB6] =	sst s8  }
0x11: {  	[smem:$0x3FB7] =	sst s9;
	s0 =	simm.s32 @!p0 $0x0  }
0x12: {  	s1 =	sld [smem:$0x3F9D];
	s0 =	simm.s32 @p0 $0x1  }
0x13: {  	[smem:$0x3FB8] =	sst s0;
	s0 =	simm.s32 @!p1 $0x0  }
0x14: {  	s2 =	sld [smem:$0x3F9C];
	s0 =	simm.s32 @p1 $0x1  }
0x15: {  	[smem:$0x3FB9] =	sst s0;
	s0 =	simm.s32 @!p2 $0x0  }
0x16: {  	s3 =	sld [smem:$0x3FDB];
	s0 =	simm.s32 @p2 $0x1  }
0x17: {  	s4 =	simm.s32 $0x1BF5;
	[smem:$0x3FBB] =	sst s0  }
0x18: {  	s0 =	sld [smem:$0x3F9E];
	_ =	swait.ge [sflag:s4], $0x0  }
0x19: {  	s7 =	sld [smem:$0x3F9F]  }
0x1a: {  	s8 =	sadd.s32 $0xFFFFE003, lr  }
0x1b: {  	s9 =	sadd.s32 $0xFFFFFEF7, lr;
	s5 =	simm.s32 $0xFFFFFFFF;
	p2 =	slt.u32 s8, $0xFFFFF086  }
0x1c: {  	p1 =	slt.u32 s9, $0xF7A;
	s5 =	simm.s32 @!p2 $0x0  }
0x1d: {  	s5 =	simm.s32 @p1 $0x1;
	p0 =	seq.s32 s7, s2  }
0x1e: {  	s7 =	smul.u32 @!p0 $0xF7A, s2;
	p2 =	seq.s32 @!p0 s5, $0x0  }
0x1f: {  	s9 =	smul.u32 $0xF7A, s1;
	s8 =	simm.s32 @!p0 $0x1BF5;
	p2 =	por !p2, p0  }
0x20: {  	[sflag:s8] =	ssyncset.s32 @!p0 $0xFFFFF086;
	s6 =	sadd.s32 @!p0 s3, s7;
	s7 =	simm.s32 @!p0 $0x108  }
0x21: {  	s3 =	sadd.s32 s3, s9;
	s6 =	sadd.s32 @!p0 $0x88, s6;
	s7 =	simm.s32 @p2 $0x1082  }
0x22: {  	[simem:s7], [sflag:s8] =	dma.local @!p0 [hbm:s6], $0xF7A  }
0x23: {  	s9 =	sor.u32 $0xD0000000, s2;
	s6 =	simm.s32 $0x108;
	_ =	swait.ge @!p0 [sflag:s8], $0x0  }
0x24: {  	s3 =	sadd.s32 $0x88, s3;
	s6 =	simm.s32 @!p1 $0x1082;
	[sflag:s4] =	ssyncset.s32 $0xFFFFF086  }
0x25: {  	[simem:s6], [sflag:s4] =	dma.local [hbm:s3], $0xF7A  }
0x26: {  	[smem:$0x3F9F] =	sst s1;
	(tag) =	ssettag s2;
	_ =	strace s9  }
0x27: {  	s1 =	sld [smem:$0x3FAF]  }
0x28: {  	s2 =	sld [smem:$0x3FB0]  }
0x29: {  	s4 =	sld [smem:$0x3FB2]  }
0x2a: {  	p0 =	seq.s32 s5, $0x0;
	s5 =	sld [smem:$0x3FB3]  }
0x2b: {  	s6 =	sld [smem:$0x3FB4]  }
0x2c: {  	s7 =	sld [smem:$0x3FB5]  }
0x2d: {  	s3 =	simm.s32 $0x108;
	s8 =	sld [smem:$0x3FB6]  }
0x2e: {  	s3 =	simm.s32 @!p0 $0x1082;
	s9 =	sld [smem:$0x3FB7]  }
0x2f: {  	lr =	sadd.s32 s0, s3;
	s0 =	sld [smem:$0x3FAE]  }
0x30: {  	s3 =	sld [smem:$0x3FB1]  }
0x31: {  	[smem:$0x3FBA] =	sst s10  }
0x32: {  	s10 =	sld [smem:$0x3FB8];
	_ =	sdelay $0x3  }
0x33: {  	p0 =	seq.s32 s10, $0x1;
	s10 =	sld [smem:$0x3FBA];
	_ =	sdelay $0x3  }
0x34: {  	[smem:$0x3FBA] =	sst s10  }
0x35: {  	s10 =	sld [smem:$0x3FB9];
	_ =	sdelay $0x3  }
0x36: {  	p1 =	seq.s32 s10, $0x1;
	s10 =	sld [smem:$0x3FBA];
	_ =	sdelay $0x3  }
0x37: {  	[smem:$0x3FBA] =	sst s10  }
0x38: {  	s10 =	sld [smem:$0x3FBB]  }
0x39: {  	_ = 	snop;
	(pc) =	sbr.ind lr, $3  }
0x3a: {  	_ = 	snop  }
0x3b: {  	_ = 	snop  }
0x3c: {  	p2 =	seq.s32 s10, $0x1;
	s10 =	sld [smem:$0x3FBA]  }
0x3d: {  	_ =	shalt  }
0x3e: {  	_ =	shalt  }
0x3f: {  	_ =	shalt  }
0x40: {  	_ =	shalt  }
0x41: {  	_ =	shalt  }
0x42: {  	_ =	shalt  }
0x43: {  	_ =	shalt  }
0x44: {  	_ =	shalt  }
0x45: {  	_ =	shalt  }
0x46: {  	_ =	shalt  }
0x47: {  	_ =	shalt  }
0x48: {  	_ =	shalt  }
0x49: {  	_ =	shalt  }
0x4a: {  	_ =	shalt  }
0x4b: {  	_ =	shalt  }
0x4c: {  	_ =	shalt  }
0x4d: {  	_ =	shalt  }
0x4e: {  	_ =	shalt  }
0x4f: {  	_ =	shalt  }
0x50: {  	_ =	shalt  }
0x51: {  	_ =	shalt  }
0x52: {  	_ =	shalt  }
0x53: {  	_ =	shalt  }
0x54: {  	_ =	shalt  }
0x55: {  	_ =	shalt  }
0x56: {  	_ =	shalt  }
0x57: {  	_ =	shalt  }
0x58: {  	_ =	shalt  }
0x59: {  	_ =	shalt  }
0x5a: {  	_ =	shalt  }
0x5b: {  	_ =	shalt  }
0x5c: {  	_ =	shalt  }
0x5d: {  	_ =	shalt  }
0x5e: {  	_ =	shalt  }
0x5f: {  	_ =	shalt  }
0x60: {  	_ =	shalt  }
0x61: {  	_ =	shalt  }
0x62: {  	_ =	shalt  }
0x63: {  	_ =	shalt  }
0x64: {  	_ =	shalt  }
0x65: {  	_ =	shalt  }
0x66: {  	_ =	shalt  }
0x67: {  	_ =	shalt  }
0x68: {  	_ =	shalt  }
0x69: {  	_ =	shalt  }
0x6a: {  	_ =	shalt  }
0x6b: {  	_ =	shalt  }
0x6c: {  	_ =	shalt  }
0x6d: {  	_ =	shalt  }
0x6e: {  	_ =	shalt  }
0x6f: {  	_ =	shalt  }
0x70: {  	_ =	shalt  }
0x71: {  	_ =	shalt  }
0x72: {  	_ =	shalt  }
0x73: {  	_ =	shalt  }
0x74: {  	_ =	shalt  }
0x75: {  	_ =	shalt  }
0x76: {  	_ =	shalt  }
0x77: {  	_ =	shalt  }
0x78: {  	_ =	shalt  }
0x79: {  	_ =	shalt  }
0x7a: {  	_ =	shalt  }
0x7b: {  	_ =	shalt  }
0x7c: {  	_ =	shalt  }
0x7d: {  	_ =	shalt  }
0x7e: {  	_ =	shalt  }
0x7f: {  	_ =	shalt  }
0x80: {  	_ =	shalt  }
0x81: {  	_ =	shalt  }
0x82: {  	_ =	shalt  }
0x83: {  	_ =	shalt  }
0x84: {  	_ =	shalt  }
0x85: {  	_ =	shalt  }
0x86: {  	_ =	shalt  }
0x87: {  	_ =	shalt  }
.Lfunc_end0:
.L_simem_size_0:
called_computation_lowered:
.L_overlay_start_0:
0x88: {  	s2 =	sld [smem:$0x3FD9]  }
0x89: {  	s3 =	sld [smem:$0x3FFE];
	_ =	sdelay $0x1  }
0x8a: {  	s1 =	srdreg.scid  }
0x8b: {  	s0 =	sand.u32 $0x1, s1  }
0x8c: {  	s17 =	sshll.u32 s0, $0xA;
	s2 =	sadd.s32 s3, s2  }
0x8d: {  	s2 =	sadd.s32 s2, s17  }
0x8e: {  	[smem:$0x3FC6] =	sst s2  }
0x8f: {  	_ = 	snop  }
0x90: {  	s2 =	sld [smem:$0x3FC9]  }
0x91: {  	s18 =	sld [smem:$0x3FC8];
	(tm) =	ssettm $0x1  }
0x92: {  	s4 =	sld [smem:$0x3FFB];
	_ =	sdelay $0x3  }
0x93: {  	_ =	strace s4  }
0x94: {  	s4 =	sld [smem:$0x3FFC];
	_ =	sdelay $0x3  }
0x95: {  	_ =	strace s4  }
0x96: {  	s4 =	sld [smem:$0x3FFD];
	_ =	sdelay $0x3  }
0x97: {  	_ =	strace s4  }
0x98: {  	_ =	strace $0x8FFFFFFF  }
0x99: {  	s19 =	sld [smem:$0x3FDB];
	_ =	sdelay $0x1  }
0x9a: {  	s5 =	simm.s32 $_scs_section_size  }
0x9b: {  	s6 =	simm.s32 $_size__tile_overlayer_lowered;
	s7 =	simm.s32 $_tile_overlayer_lowered  }
0x9c: {  	s22 =	simm.s32 $0x1BFF;
	s21 =	sshll.u32 s7, $0x1;
	s4 =	sadd.s32 s5, s19  }
0x9d: {  	s8 =	simm.s32 $0x0;
	s20 =	sshll.u32 s6, $0x1;
	s6 =	sadd.s32 s21, s4  }
0x9e: {  	[timem:s8], [sflag:s22] =	dma.local [hbm:s6], s20  }
0x9f: {  	_ =	swait.ge [sflag:s22], s20  }
0xa0: {  	s5 =	ssub.s32 $0x0, s20;
	[sflag:s22] =	ssyncset.done $0x0  }
0xa1: {  	[sflag:s22] =	ssyncadd.s32 s5;
	_ =	sdelay $0x1  }
0xa2: {  	s23 =	simm.s32 $0x1B8B  }
0xa3: {  	_ =	swait.ge [sflag:s23], $0x1  }
0xa4: {  	[sflag:s23] =	ssyncset.done $0x0  }
0xa5: {  	s25 =	simm.s32 $0x1B8E;
	s24 =	sld [smem:$0x3FFE];
	[sflag:s23] =	ssyncadd.s32 $0xFFFFFFFF  }
0xa6: {  	s26 =	simm.s32 $execute0_lowered;
	[smem:$0x3FD2] =	sst s25  }
0xa7: {  	s6 =	sshll.u32 s26, $0x1;
	_ =	strace $0x80000046;
	[dreg:$0x1] =	wrdreg $0xFFFFFFFF  }
0xa8: {  	s28 =	simm.s32 $_size_execute0_lowered;
	s4 =	sadd.s32 s4, s6;
	[dreg:$0x0] =	wrdreg $0x0  }
0xa9: {  	s6 =	sshll.u32 s28, $0x1;
	[dreg:$0x2] =	wrdreg s4  }
0xaa: {  	[dreg:$0x3] =	wrdreg s6  }
0xab: {  	[dreg:$0x4] =	wrdreg $0xC0  }
0xac: {  	_ =	task [dreg:s8], $0x5FFFF  }
0xad: {  	[dreg:$0x1] =	wrdreg $0xFFFFFFFF  }
0xae: {  	[dreg:$0x0] =	wrdreg $0x60  }
0xaf: {  	[dreg:$0x2] =	wrdreg s2  }
0xb0: {  	[dreg:$0x3] =	wrdreg s18  }
0xb1: {  	[dreg:$0x4] =	wrdreg s24  }
0xb2: {  	[dreg:$0x5] =	wrdreg $0x9  }
0xb3: {  	_ =	task.clear_ibuf [dreg:s8], $0x6FFFF;
	_ =	strace $0x90000046  }
0xb4: {  	s29 =	simm.s32 $0x9;
	_ =	strace $0x80000048  }
0xb5: {  	_ =	swait.ge [sflag:s29], $0x1  }
0xb6: {  	[sflag:s29] =	ssyncadd.s32 $0xFFFFFFFF  }
0xb7: {  	_ =	strace $0x90000048  }
0xb8: {  	_ =	sfence  }
0xb9: {  	s30 =	sld [smem:$0x0];
	_ =	sdelay $0x2  }
0xba: {  	s31 =	sshll.u32 s1, $0xD;
	s1 =	sshrl.u32 s1, $0x2  }
0xbb: {  	s3 =	sand.u32 $0x4000, s31;
	s1 =	sadd.s32 s1, s30  }
0xbc: {  	s0 =	sor.u32 s3, s0;
	s1 =	sshll.u32 s1, $0x11  }
0xbd: {  	s0 =	sor.u32 s1, s0  }
0xbe: {  	s0 =	sadd.s32 $0x8F2B, s0  }
0xbf: {  	[sflag:s0] =	ssyncadd.remote.s32 $0x1  }
0xc0: {  	_ =	sfence.sel $0xFFFF  }
0xc1: {  	[dreg:$0x0] =	wrdreg $0xFFFFFFFF;
	(pc) =	sbr.abs _section_cstart, $3  }
0xc2: {  	[dreg:$0x1] =	wrdreg $0xFFFFFFFF  }
0xc3: {  	_ =	task.clear_ibuf [dreg:s8], $0x2FFFF;
	_ =	strace $0x9FFFFFFF  }
0xc4: {  	(tm) =	ssettm $0x7FFFFFFF  }
0xc5: {  	_ =	shalt  }
tec
execute0_lowered:
.L_overlay_start_1:
0x0: {  	(tag) =	ssettag $0x1  }
0x1: {  	s1 =	rddreg [dreg:$0x0]  }
0x2: {  	s4 =	rddreg [dreg:$0x1]  }
0x3: {  	s5 =	rddreg [dreg:$0x2];
	s3 =	srdreg.scid  }
0x4: {  	s0 =	rddreg [dreg:$0x3];
	s2 =	stileid.u32  }
0x5: {  	s10 =	simm.s32 $0x2;
	s11 =	simm.s32 $0x600;
	s12 =	simm.s32 $0x8600  }
0x6: {  	s13 =	simm.s32 $0x3;
	s14 =	simm.s32 $0x0;
	s6 =	sand.u32 $0x1, s3  }
0x7: {  	s3 =	simm.s32 $0x0;
	s7 =	sshll.u32 s2, $0xA;
	s8 =	sshll.u32 s6, $0x9  }
0x8: {  	[smem:$0x7FF] =	sst s3;
	s6 =	ssub.s32 $0x2, s6;
	s7 =	sor.u32 s8, s7  }
0x9: {  	_ =	strace $0x80000047;
	s31 =	sshrl.u32 s6, $0x1;
	s8 =	sshll.u32 s7, $0x4  }
0xa: {  	s7 =	sshrl.u32 s7, $0x3;
	s9 =	ssub.s32 s6, s31;
	s8 =	sadd.s32 s8, s5  }
0xb: {  	v0 =	vlaneseq.u32;
	s4 =	sadd.s32 s4, s7;
	s7 =	smax.u32 s9, $0x1;
	s9 =	simm.s32 $0x1  }
0xc: {  	v0 =	vmul.u32 $0x80, v0;
	s5 =	sadd.s32 $0x400, s8;
	s6 =	sadd.s32 $0x1400, s8;
	s8 =	simm.s32 $0x400  }
.LBB2_1:
0xd: {  	[tilespmem:s3], [sflag:$0x1] =	stream.linear.gather [hbm4b:s1+s3], $0x400, $0x38;
	[tilespmem:$0x10600] =	vst v63  }
0xe: {  	_ = 	snop  }
0xf: {  	[tilespmem:s8], [sflag:$0x2] =	stream.linear.gather [hbm4b:s4+s3], $0x200, $0x38;
	[tilespmem:$0x10600] =	vst v63  }
0x10: {  	_ =	swait.ge [sflag:s9], $0x400  }
0x11: {  	[sflag:s9] =	ssyncset.done $0x0  }
0x12: {  	[sflag:s9] =	ssyncadd.s32 $0xFFFFFC00  }
0x13: {  	_ =	swait.ge [sflag:s10], $0x200  }
0x14: {  	s15 =	simm.s32 $0xFFFFFFFE;
	[sflag:s10] =	ssyncset.done $0x0  }
0x15: {  	s16 =	simm.s32 $0x410;
	s17 =	simm.s32 $0x10;
	[sflag:s10] =	ssyncadd.s32 $0xFFFFFE00  }
.LBB2_2:
0x16: {  	v1 =	vld [tilespmem:s16+$0xFFFFFFF0];
	_ =	sdelay $0x7  }
0x17: {  	v1 =	vld.idx.msk [tilespmem:v1+s3+$0x0], $0xffff;
	_ =	sdelay $0x4  }
0x18: {  	v2 =	vsub.f32 $1.000000000e+00, v1  }
0x19: {  	v3 =	vshra.s32 v1, $0x1;
	v4 =	vmul.f32 $5.000000000e-01, v1  }
0x1a: {  	v3 =	vsub.s32 $0x5F3759DF, v3;
	v5 =	vshra.s32 v2, $0x1;
	v6 =	vmul.f32 $5.000000000e-01, v2  }
0x1b: {  	v7 =	vmul.f32 v3, v4;
	v5 =	vsub.s32 $0x5F3759DF, v5  }
0x1c: {  	v8 =	vmul.f32 v5, v6  }
0x1d: {  	v7 =	vmul.f32 v3, v7  }
0x1e: {  	v8 =	vmul.f32 v5, v8  }
0x1f: {  	v7 =	vsub.f32 $1.500000000e+00, v7  }
0x20: {  	v8 =	vsub.f32 $1.500000000e+00, v8  }
0x21: {  	v3 =	vmul.f32 v3, v7  }
0x22: {  	v5 =	vmul.f32 v5, v8  }
0x23: {  	v4 =	vmul.f32 v3, v4  }
0x24: {  	v6 =	vmul.f32 v5, v6  }
0x25: {  	s18 =	sadd.s32 $0xFFFFFFF0, s17;
	v4 =	vmul.f32 v4, v3  }
0x26: {  	v55 =	vmov s18;
	v6 =	vmul.f32 v6, v5  }
0x27: {  	v7 =	vshll.u32 v55, $0x7;
	v4 =	vsub.f32 $1.500000000e+00, v4  }
0x28: {  	v7 =	vor.u32 v0, v7;
	v6 =	vsub.f32 $1.500000000e+00, v6  }
0x29: {  	v56 =	vor.u32 $0x1, v7;
	v3 =	vmul.f32 v4, v3  }
0x2a: {  	v5 =	vmul.f32 v6, v5  }
0x2b: {  	v1 =	vmul.f32 v3, v1  }
0x2c: {  	v2 =	vmul.f32 v5, v2  }
0x2d: {  	[tilespmem:v7+s11+$0x0] =	vst.idx.msk $0xffff, v1  }
0x2e: {  	[tilespmem:v56+s11+$0x0] =	vst.idx.msk $0xffff, v2  }
0x2f: {  	v1 =	vld [tilespmem:s16+$0x0];
	_ =	sdelay $0x7  }
0x30: {  	v1 =	vld.idx.msk [tilespmem:v1+s3+$0x0], $0xffff;
	_ =	sdelay $0x4  }
0x31: {  	v2 =	vsub.f32 $1.000000000e+00, v1  }
0x32: {  	v3 =	vshra.s32 v1, $0x1;
	v57 =	vmul.f32 $5.000000000e-01, v1  }
0x33: {  	v3 =	vsub.s32 $0x5F3759DF, v3;
	v58 =	vshra.s32 v2, $0x1;
	v59 =	vmul.f32 $5.000000000e-01, v2  }
0x34: {  	v60 =	vmul.f32 v3, v57;
	v5 =	vsub.s32 $0x5F3759DF, v58  }
0x35: {  	v61 =	vmul.f32 v5, v59  }
0x36: {  	v7 =	vmul.f32 v3, v60  }
0x37: {  	v8 =	vmul.f32 v5, v61  }
0x38: {  	v7 =	vsub.f32 $1.500000000e+00, v7  }
0x39: {  	v8 =	vsub.f32 $1.500000000e+00, v8  }
0x3a: {  	v3 =	vmul.f32 v3, v7  }
0x3b: {  	v5 =	vmul.f32 v5, v8  }
0x3c: {  	v4 =	vmul.f32 v3, v57  }
0x3d: {  	v6 =	vmul.f32 v5, v59  }
0x3e: {  	v4 =	vmul.f32 v4, v3  }
0x3f: {  	v62 =	vmov s17;
	v6 =	vmul.f32 v6, v5  }
0x40: {  	v7 =	vshll.u32 v62, $0x7;
	v4 =	vsub.f32 $1.500000000e+00, v4  }
0x41: {  	s15 =	sadd.s32 $0x2, s15;
	v7 =	vor.u32 v0, v7;
	v6 =	vsub.f32 $1.500000000e+00, v6  }
0x42: {  	p0 =	slt.u32 s15, $0xE;
	v63 =	vor.u32 $0x1, v7;
	v3 =	vmul.f32 v4, v3  }
.Ltmp0:
0x43: {  	v5 =	vmul.f32 v6, v5;
	(pc) =	sbr.rel @p0 .LBB2_2-.Ltmp0, $4  }
0x44: {  	v1 =	vmul.f32 v3, v1  }
0x45: {  	v2 =	vmul.f32 v5, v2  }
0x46: {  	[tilespmem:v7+s11+$0x0] =	vst.idx.msk $0xffff, v1  }
0x47: {  	s17 =	sadd.s32 $0x20, s17;
	s16 =	sadd.s32 $0x20, s16;
	[tilespmem:v63+s11+$0x0] =	vst.idx.msk $0xffff, v2  }
0x48: {  	[hbm4b:s5+s3] =	stream.linear.scatter [tilespmem:s11], [sflag:$0x3], $0x8000, $0x38;
	[tilespmem:$0x10600] =	vst v63  }
0x49: {  	s15 =	simm.s32 $0x0;
	s16 =	simm.s32 $0x100  }
0x4a: {  	s17 =	sand.u32 $0x180, s16;
	s15 =	sand.u32 $0x60, s15  }
0x4b: {  	s15 =	sor.u32 s15, s17  }
0x4c: {  	v1 =	vld [tilespmem:s15+$0x400];
	_ =	sdelay $0x7  }
0x4d: {  	v1 =	vld.idx.msk [tilespmem:v1+s3+$0x0], $0xffff;
	_ =	sdelay $0x4  }
0x4e: {  	v2 =	vsub.f32 $1.000000000e+00, v1  }
0x4f: {  	v3 =	vshra.s32 v1, $0x1;
	v4 =	vmul.f32 $5.000000000e-01, v1  }
0x50: {  	v3 =	vsub.s32 $0x5F3759DF, v3;
	v5 =	vshra.s32 v2, $0x1;
	v6 =	vmul.f32 $5.000000000e-01, v2  }
0x51: {  	v7 =	vmul.f32 v3, v4;
	v5 =	vsub.s32 $0x5F3759DF, v5  }
0x52: {  	v8 =	vmul.f32 v5, v6  }
0x53: {  	v7 =	vmul.f32 v3, v7  }
0x54: {  	v8 =	vmul.f32 v5, v8  }
0x55: {  	v7 =	vsub.f32 $1.500000000e+00, v7  }
0x56: {  	v8 =	vsub.f32 $1.500000000e+00, v8  }
0x57: {  	v3 =	vmul.f32 v3, v7  }
0x58: {  	v5 =	vmul.f32 v5, v8  }
0x59: {  	v4 =	vmul.f32 v3, v4  }
0x5a: {  	v6 =	vmul.f32 v5, v6  }
0x5b: {  	v4 =	vmul.f32 v4, v3  }
0x5c: {  	v59 =	vmov s16;
	v6 =	vmul.f32 v6, v5  }
0x5d: {  	v7 =	vshll.u32 v59, $0x7;
	v4 =	vsub.f32 $1.500000000e+00, v4  }
0x5e: {  	v7 =	vor.u32 v0, v7;
	v6 =	vsub.f32 $1.500000000e+00, v6  }
0x5f: {  	v3 =	vmul.f32 v4, v3;
	v4 =	vor.u32 $0x1, v7  }
0x60: {  	v5 =	vmul.f32 v6, v5  }
0x61: {  	v1 =	vmul.f32 v3, v1  }
0x62: {  	v2 =	vmul.f32 v5, v2  }
0x63: {  	[tilespmem:v7+s11+$0x0] =	vst.idx.msk $0xffff, v1  }
0x64: {  	s15 =	simm.s32 $0x510;
	[tilespmem:v4+s11+$0x0] =	vst.idx.msk $0xffff, v2  }
0x65: {  	v1 =	vld [tilespmem:s15+$0x0];
	_ =	sdelay $0x7  }
0x66: {  	v1 =	vld.idx.msk [tilespmem:v1+s3+$0x0], $0xffff;
	_ =	sdelay $0x4  }
0x67: {  	v2 =	vshra.s32 v1, $0x1;
	v3 =	vmul.f32 $5.000000000e-01, v1  }
0x68: {  	v4 =	vsub.f32 $1.000000000e+00, v1;
	v2 =	vsub.s32 $0x5F3759DF, v2  }
0x69: {  	v5 =	vmul.f32 v2, v3  }
0x6a: {  	v60 =	vshra.s32 v4, $0x1;
	v61 =	vmul.f32 $5.000000000e-01, v4  }
0x6b: {  	v6 =	vsub.s32 $0x5F3759DF, v60;
	v5 =	vmul.f32 v2, v5  }
0x6c: {  	v62 =	vmul.f32 v6, v61  }
0x6d: {  	v5 =	vsub.f32 $1.500000000e+00, v5  }
0x6e: {  	v8 =	vmul.f32 v6, v62  }
0x6f: {  	v2 =	vmul.f32 v2, v5  }
0x70: {  	v5 =	vsub.f32 $1.500000000e+00, v8  }
0x71: {  	v3 =	vmul.f32 v2, v3  }
0x72: {  	v5 =	vmul.f32 v6, v5  }
0x73: {  	v3 =	vmul.f32 v3, v2  }
0x74: {  	v6 =	vmul.f32 v5, v61  }
0x75: {  	s31 =	simm.s32 $0x110;
	v3 =	vsub.f32 $1.500000000e+00, v3  }
0x76: {  	v63 =	vmov s31;
	v6 =	vmul.f32 v6, v5  }
0x77: {  	v7 =	vshll.u32 v63, $0x7;
	v2 =	vmul.f32 v3, v2  }
0x78: {  	v7 =	vor.u32 v0, v7;
	v3 =	vsub.f32 $1.500000000e+00, v6  }
0x79: {  	v1 =	vmul.f32 v2, v1;
	v2 =	vor.u32 $0x1, v7  }
0x7a: {  	v3 =	vmul.f32 v3, v5;
	_ =	sdelay $0x1  }
0x7b: {  	s19 =	simm.s32 $0x20;
	s20 =	simm.s32 $0x120;
	s16 =	simm.s32 $0x130;
	v3 =	vmul.f32 v3, v4  }
0x7c: {  	s18 =	sand.u32 $0x180, s20;
	s19 =	sand.u32 $0x60, s19;
	s17 =	simm.s32 $0x2;
	[tilespmem:v7+s11+$0x0] =	vst.idx.msk $0xffff, v1;
	v1 =	vmov s20  }
.LBB2_4:
0x7d: {  	s17 =	sadd.s32 $0x2, s17;
	s18 =	sor.u32 s19, s18;
	[tilespmem:v2+s11+$0x0] =	vst.idx.msk $0xffff, v3;
	s15 =	sadd.s32 $0x20, s15  }
0x7e: {  	p0 =	slt.u32 s17, $0xE;
	v2 =	vld [tilespmem:s18+$0x400];
	_ =	sdelay $0x7  }
0x7f: {  	v2 =	vld.idx.msk [tilespmem:v2+s3+$0x0], $0xffff;
	_ =	sdelay $0x5  }
0x80: {  	v3 =	vshra.s32 v2, $0x1;
	v4 =	vmul.f32 $5.000000000e-01, v2;
	v5 =	vsub.f32 $1.000000000e+00, v2  }
0x81: {  	v3 =	vsub.s32 $0x5F3759DF, v3  }
0x82: {  	v6 =	vmul.f32 v3, v4;
	v7 =	vshra.s32 v5, $0x1;
	v8 =	vmul.f32 $5.000000000e-01, v5  }
0x83: {  	v7 =	vsub.s32 $0x5F3759DF, v7  }
0x84: {  	v6 =	vmul.f32 v3, v6;
	v9 =	vmul.f32 v7, v8;
	_ =	sdelay $0x1  }
0x85: {  	v6 =	vsub.f32 $1.500000000e+00, v6;
	v9 =	vmul.f32 v7, v9;
	_ =	sdelay $0x1  }
0x86: {  	v3 =	vmul.f32 v3, v6;
	v6 =	vsub.f32 $1.500000000e+00, v9;
	_ =	sdelay $0x1  }
0x87: {  	v4 =	vmul.f32 v3, v4;
	v6 =	vmul.f32 v7, v6;
	_ =	sdelay $0x1  }
0x88: {  	v4 =	vmul.f32 v4, v3;
	v7 =	vmul.f32 v6, v8;
	_ =	sdelay $0x1  }
0x89: {  	v1 =	vshll.u32 v1, $0x7;
	v4 =	vsub.f32 $1.500000000e+00, v4;
	v7 =	vmul.f32 v7, v6  }
0x8a: {  	v1 =	vor.u32 v0, v1  }
0x8b: {  	v3 =	vmul.f32 v4, v3;
	v4 =	vsub.f32 $1.500000000e+00, v7;
	v7 =	vor.u32 $0x1, v1;
	_ =	sdelay $0x1  }
0x8c: {  	v2 =	vmul.f32 v3, v2;
	v3 =	vmul.f32 v4, v6;
	_ =	sdelay $0x1  }
0x8d: {  	v3 =	vmul.f32 v3, v5;
	[tilespmem:v1+s11+$0x0] =	vst.idx.msk $0xffff, v2;
	_ =	sdelay $0x1  }
0x8e: {  	[tilespmem:v7+s11+$0x0] =	vst.idx.msk $0xffff, v3  }
0x8f: {  	v1 =	vld [tilespmem:s15+$0x0];
	_ =	sdelay $0x7  }
0x90: {  	v1 =	vld.idx.msk [tilespmem:v1+s3+$0x0], $0xffff;
	_ =	sdelay $0x5  }
0x91: {  	v2 =	vshra.s32 v1, $0x1;
	v3 =	vmul.f32 $5.000000000e-01, v1;
	v4 =	vsub.f32 $1.000000000e+00, v1  }
0x92: {  	v2 =	vsub.s32 $0x5F3759DF, v2  }
0x93: {  	v5 =	vmul.f32 v2, v3;
	v6 =	vshra.s32 v4, $0x1;
	v7 =	vmul.f32 $5.000000000e-01, v4  }
0x94: {  	v6 =	vsub.s32 $0x5F3759DF, v6  }
0x95: {  	v5 =	vmul.f32 v2, v5;
	v8 =	vmul.f32 v6, v7;
	_ =	sdelay $0x1  }
0x96: {  	v5 =	vsub.f32 $1.500000000e+00, v5;
	v8 =	vmul.f32 v6, v8;
	_ =	sdelay $0x1  }
0x97: {  	v2 =	vmul.f32 v2, v5;
	v5 =	vsub.f32 $1.500000000e+00, v8;
	_ =	sdelay $0x1  }
0x98: {  	v3 =	vmul.f32 v2, v3;
	v5 =	vmul.f32 v6, v5;
	_ =	sdelay $0x1  }
0x99: {  	v3 =	vmul.f32 v3, v2;
	v6 =	vmul.f32 v5, v7  }
0x9a: {  	v7 =	vmov s16  }
0x9b: {  	v7 =	vshll.u32 v7, $0x7;
	v3 =	vsub.f32 $1.500000000e+00, v3;
	v6 =	vmul.f32 v6, v5  }
0x9c: {  	v7 =	vor.u32 v0, v7  }
0x9d: {  	v3 =	vmul.f32 v3, v2;
	v6 =	vsub.f32 $1.500000000e+00, v6  }
.Ltmp1:
0x9e: {  	v2 =	vor.u32 $0x1, v7;
	(pc) =	sbr.rel @p0 .LBB2_4-.Ltmp1, $4  }
0x9f: {  	v1 =	vmul.f32 v3, v1;
	v3 =	vmul.f32 v6, v5  }
0xa0: {  	s16 =	sadd.s32 $0x20, s16  }
0xa1: {  	s19 =	sadd.s32 $0xFFFFFEF0, s16;
	s20 =	sadd.s32 $0xFFFFFFF0, s16;
	v3 =	vmul.f32 v3, v4;
	[tilespmem:v7+s11+$0x0] =	vst.idx.msk $0xffff, v1  }
0xa2: {  	s18 =	sand.u32 $0x180, s20;
	s19 =	sand.u32 $0x60, s19;
	v1 =	vmov s20  }
0xa3: {  	_ =	sdelay $0x3  }
0xa4: {  	s17 =	sor.u32 s19, s18;
	[tilespmem:v2+s11+$0x0] =	vst.idx.msk $0xffff, v3  }
0xa5: {  	v2 =	vld [tilespmem:s17+$0x400];
	_ =	sdelay $0x7  }
0xa6: {  	v2 =	vld.idx.msk [tilespmem:v2+s3+$0x0], $0xffff;
	_ =	sdelay $0x4  }
0xa7: {  	v3 =	vsub.f32 $1.000000000e+00, v2  }
0xa8: {  	v4 =	vshra.s32 v2, $0x1;
	v5 =	vmul.f32 $5.000000000e-01, v2  }
0xa9: {  	v4 =	vsub.s32 $0x5F3759DF, v4;
	v6 =	vshra.s32 v3, $0x1;
	v7 =	vmul.f32 $5.000000000e-01, v3  }
0xaa: {  	v8 =	vmul.f32 v4, v5;
	v6 =	vsub.s32 $0x5F3759DF, v6  }
0xab: {  	v9 =	vmul.f32 v6, v7  }
0xac: {  	v8 =	vmul.f32 v4, v8  }
0xad: {  	v9 =	vmul.f32 v6, v9  }
0xae: {  	v8 =	vsub.f32 $1.500000000e+00, v8  }
0xaf: {  	v9 =	vsub.f32 $1.500000000e+00, v9  }
0xb0: {  	v4 =	vmul.f32 v4, v8  }
0xb1: {  	v6 =	vmul.f32 v6, v9  }
0xb2: {  	v5 =	vmul.f32 v4, v5  }
0xb3: {  	v7 =	vmul.f32 v6, v7  }
0xb4: {  	v5 =	vmul.f32 v5, v4  }
0xb5: {  	v7 =	vmul.f32 v7, v6  }
0xb6: {  	v1 =	vshll.u32 v1, $0x7;
	v5 =	vsub.f32 $1.500000000e+00, v5  }
0xb7: {  	v1 =	vor.u32 v0, v1;
	v7 =	vsub.f32 $1.500000000e+00, v7  }
0xb8: {  	v56 =	vor.u32 $0x1, v1;
	v4 =	vmul.f32 v5, v4  }
0xb9: {  	v6 =	vmul.f32 v7, v6  }
0xba: {  	v2 =	vmul.f32 v4, v2  }
0xbb: {  	v3 =	vmul.f32 v6, v3  }
0xbc: {  	[tilespmem:v1+s11+$0x0] =	vst.idx.msk $0xffff, v2  }
0xbd: {  	s15 =	sadd.s32 $0x20, s15;
	[tilespmem:v56+s11+$0x0] =	vst.idx.msk $0xffff, v3  }
0xbe: {  	v1 =	vld [tilespmem:s15+$0x0];
	_ =	sdelay $0x7  }
0xbf: {  	v1 =	vld.idx.msk [tilespmem:v1+s3+$0x0], $0xffff;
	_ =	sdelay $0x4  }
0xc0: {  	v2 =	vsub.f32 $1.000000000e+00, v1  }
0xc1: {  	v3 =	vshra.s32 v1, $0x1;
	v57 =	vmul.f32 $5.000000000e-01, v1  }
0xc2: {  	v3 =	vsub.s32 $0x5F3759DF, v3;
	v58 =	vshra.s32 v2, $0x1;
	v59 =	vmul.f32 $5.000000000e-01, v2  }
0xc3: {  	v60 =	vmul.f32 v3, v57;
	v5 =	vsub.s32 $0x5F3759DF, v58  }
0xc4: {  	v61 =	vmul.f32 v5, v59  }
0xc5: {  	v7 =	vmul.f32 v3, v60  }
0xc6: {  	v8 =	vmul.f32 v5, v61  }
0xc7: {  	v7 =	vsub.f32 $1.500000000e+00, v7  }
0xc8: {  	v8 =	vsub.f32 $1.500000000e+00, v8  }
0xc9: {  	v3 =	vmul.f32 v3, v7  }
0xca: {  	v5 =	vmul.f32 v5, v8  }
0xcb: {  	v4 =	vmul.f32 v3, v57  }
0xcc: {  	v6 =	vmul.f32 v5, v59  }
0xcd: {  	v4 =	vmul.f32 v4, v3  }
0xce: {  	v62 =	vmov s16;
	v6 =	vmul.f32 v6, v5  }
0xcf: {  	v7 =	vshll.u32 v62, $0x7;
	v4 =	vsub.f32 $1.500000000e+00, v4  }
0xd0: {  	v7 =	vor.u32 v0, v7;
	v6 =	vsub.f32 $1.500000000e+00, v6  }
0xd1: {  	v63 =	vor.u32 $0x1, v7;
	v3 =	vmul.f32 v4, v3  }
0xd2: {  	v5 =	vmul.f32 v6, v5  }
0xd3: {  	v1 =	vmul.f32 v3, v1  }
0xd4: {  	v2 =	vmul.f32 v5, v2  }
0xd5: {  	[tilespmem:v7+s11+$0x0] =	vst.idx.msk $0xffff, v1  }
0xd6: {  	s14 =	sadd.s32 $0x1, s14;
	[tilespmem:v63+s11+$0x0] =	vst.idx.msk $0xffff, v2  }
0xd7: {  	[hbm4b:s6+s3] =	stream.linear.scatter [tilespmem:s12], [sflag:$0x3], $0x8000, $0x38;
	[tilespmem:$0x10600] =	vst v63  }
0xd8: {  	p0 =	sne.s32 s14, s7;
	_ =	swait.ge [sflag:s13], $0x8000  }
.Ltmp2:
0xd9: {  	[sflag:s13] =	ssyncset.done $0x0;
	(pc) =	sbr.rel @p0 .LBB2_1-.Ltmp2, $4  }
0xda: {  	[sflag:s13] =	ssyncadd.s32 $0xFFFF8000  }
0xdb: {  	_ =	swait.ge [sflag:s13], $0x8000  }
0xdc: {  	[sflag:s13] =	ssyncset.done $0x0  }
0xdd: {  	[sflag:s13] =	ssyncadd.s32 $0xFFFF8000  }
0xde: {  	_ =	sfence.sel $0x180000  }
0xdf: {  	[bflag:$0x0] =	sbarrier.arrive $0xFFFF  }
0xe0: {  	p0 =	sne.s32 s2, $0x0;
	_ =	strace $0x90000047  }
0xe1: {  	s0 =	sadd.s32 @!p0 $0x100000, s0;
	[bflag:$0x2] =	sbarrier.arrive $0xFFFF  }
0xe2: {  	[sflag:s0] =	ssyncadd.tile.s32 @!p0 $0x1;
	_ =	shalt  }
.Lfunc_end2:
_tile_overlayer_lowered:
.L_overlay_start_2:
0xe3: {  	(tag) =	ssettag $0x2  }
0xe4: {  	s0 =	rddreg [dreg:$0x0];
	s2 =	stileid.u32  }
0xe5: {  	s1 =	rddreg [dreg:$0x1];
	p0 =	sne.s32 s2, $0x0  }
0xe6: {  	s3 =	rddreg [dreg:$0x2];
	[bflag:$0x3] =	sbarrier.arrive $0xFFFF;
	s2 =	simm.s32 @!p0 $0x1C04  }
0xe7: {  	[timem:s3], [sflag:s2] =	dma.local @!p0 [hbm:s0], s1  }
0xe8: {  	s0 =	simm.s32 @!p0 $0x4  }
0xe9: {  	_ =	swait.ge @!p0 [sflag:s0], s1  }
0xea: {  	s1 =	ssub.s32 @!p0 $0x0, s1;
	[sflag:s0] =	ssyncset.done @!p0 $0x0  }
0xeb: {  	[sflag:s0] =	ssyncadd.s32 @!p0 s1  }
0xec: {  	[bflag:$0x3] =	sbarrier.arrive $0xFFFF  }
0xed: {  	_ =	shalt  }

</sc_bundles>
